<compile_context>
chip_gen: v7x
topology: tpu7x:2x2x1
jax: 0.10.2.dev20260603
libtpu: 0.0.44.dev20260713+nightly
codegen_flags: <defaults>
</compile_context>

<pallas_src>
import jax
import jax.numpy as jnp
import numpy as np
from jax import lax
from jax.experimental import pallas as pl
from jax.experimental.pallas import tpu as pltpu
from jax.experimental.pallas import tpu_sc as plsc

_F = 42
_C = 42
_W = 5
_NG = _F - _W + 1
_NEG = np.float32(-1e30)

_FS = (np.round(np.float32([8.67, 0.01, 1.33]) * np.float32(100.0))
       / np.float32(100.0)).astype(np.float32)


def _col(c):
    return jnp.full((16,), c, jnp.int32)


def _body(x_hbm, score_hbm, xv, jv, sv, ov):
    tile0 = jnp.logical_and(lax.axis_index("c") == 0, lax.axis_index("s") == 0)

    @pl.when(tile0)
    def _():
        pltpu.sync_copy(x_hbm, xv)
        lane = lax.iota(jnp.int32, 16)
        zero = jnp.zeros((16,), jnp.float32)
        jv[pl.ds(48, 16)] = zero
        sv[pl.ds(48, 16)] = zero

        def _block(b, carry):
            f = b * 16 + lane
            fc = jnp.minimum(f, _F - 1)
            s0 = plsc.load_gather(xv, [fc, _col(0)])
            s23 = plsc.load_gather(xv, [fc, _col(23)])
            s36 = plsc.load_gather(xv, [fc, _col(36)])
            s38 = plsc.load_gather(xv, [fc, _col(38)])
            c0 = ((s38 >= 0.8) & (s38 <= 1.0) & (s36 >= 0.2) & (s36 <= 0.6)
                  & (s0 >= 0.0) & (s0 <= 1.0))
            c1 = ((s38 >= 0.9) & (s38 <= 1.0) & (s23 >= 0.2) & (s23 <= 0.8)
                  & (s36 >= 0.2) & (s36 <= 0.5))
            c2 = (s38 >= 0.8) & (s38 <= 1.0) & (s0 >= 0.0) & (s0 <= 0.5)
            j = (c0 | c1 | c2) & (f < _F)
            fs = jnp.where(c0, _FS[0], jnp.where(c1, _FS[1],
                                                 jnp.where(c2, _FS[2], 0.0)))
            jv[pl.ds(b * 16, 16)] = jnp.where(j, 1.0, 0.0)
            sv[pl.ds(b * 16, 16)] = jnp.where(j, fs, 0.0)
            return carry

        lax.fori_loop(0, 3, _block, 0, unroll=False)

        okv = zero
        m_all = jnp.full((16,), _NEG, jnp.float32)
        masked = []
        for b in range(3):
            cnt = zero
            ssum = zero
            for k in range(_W):
                cnt = cnt + jv[pl.ds(b * 16 + k, 16)]
                ssum = ssum + sv[pl.ds(b * 16 + k, 16)]
            ok = (cnt >= 2.5) & (b * 16 + lane < _NG)
            mb = jnp.where(ok, ssum, _NEG)
            masked.append(mb)
            m_all = jnp.maximum(m_all, mb)
            okv = okv + jnp.where(ok, 1.0, 0.0)

        m1 = jnp.max(m_all)
        eqv = zero
        m2v = jnp.full((16,), _NEG, jnp.float32)
        for mb in masked:
            hit = mb == m1
            eqv = eqv + jnp.where(hit, 1.0, 0.0)
            m2v = jnp.maximum(m2v, jnp.where(hit, _NEG, mb))
        m2 = jnp.where(jnp.sum(eqv) >= 1.5, m1, jnp.max(m2v))
        judge = jnp.sum(okv) >= 1.5
        score = jnp.where(judge, m1 + m2, 0.0)
        ov[...] = zero + score
        pltpu.sync_copy(ov.at[pl.ds(0, 1)], score_hbm)


_sc_call = pl.kernel(
    _body,
    out_type=jax.ShapeDtypeStruct((1,), jnp.float32),
    mesh=plsc.VectorSubcoreMesh(core_axis_name="c", subcore_axis_name="s",
                                num_cores=1),
    compiler_params=pltpu.CompilerParams(needs_layout_passes=False,
                                         use_tc_tiling_on_sc=True),
    scratch_types=[
        pltpu.VMEM((_F, _C), jnp.float32),
        pltpu.VMEM((64,), jnp.float32),
        pltpu.VMEM((64,), jnp.float32),
        pltpu.VMEM((16,), jnp.float32),
    ],
)


@jax.jit
def kernel(snoring_result):
    score = jnp.squeeze(_sc_call(snoring_result))
    return score > 0.0, score

# --- scband reference (transcript-rebuilt; emitter-appended) ---
"""Pipeline reference for scband-snoring-classification-layer-52166672778111 (READ-ONLY COPY).

The authoritative reference and input builder live on the scoring server;
editing this copy changes nothing except your own understanding.
"""

import jax, jax.numpy as jnp
import numpy as np

COMBOS = jnp.array([[[38, 0.8, 1.0], [36, 0.2, 0.6], [0, 0.0, 1.0]],
                    [[38, 0.9, 1.0], [23, 0.2, 0.8], [36, 0.2, 0.5]],
                    [[38, 0.8, 1.0], [0, 0.0, 0.5], [0, 0.0, 1.0]]], dtype=jnp.float32)
SNORING_SCORE = jnp.array([8.67, 0.01, 1.33], dtype=jnp.float32)


def setup_inputs(seed: int = 0) -> dict:
    key = jax.random.key(seed)
    snoring_result = jax.random.uniform(key, (42, 42), dtype=jnp.float32)
    return {"snoring_result": snoring_result}


def _frame_judge(score):
    # score: [num_classes]
    cls = COMBOS[:, :, 0].astype(jnp.int32)   # [3, 3] class indices
    mn = COMBOS[:, :, 1]                       # [3, 3] min thresholds
    mx = COMBOS[:, :, 2]                       # [3, 3] max thresholds
    vals = score[cls]                          # gather: [3, 3]
    in_range = jnp.logical_and(vals >= mn, vals <= mx)
    combo_ok = jnp.all(in_range, axis=1)       # [3]: each combination AND over its 3 rows
    # tf.while_loop stops at the FIRST matching combination; index-1 == first True idx
    judgement = jnp.any(combo_ok)
    first_idx = jnp.argmax(combo_ok)
    frame_score = jnp.where(judgement,
                            jnp.round(SNORING_SCORE[first_idx] * 100.0) / 100.0,
                            jnp.float32(0.0))
    return judgement, frame_score


def reference(snoring_result):
    # per-frame judgement over all frames (convert_all_frames)
    frame_j, frame_s = jax.vmap(_frame_judge)(snoring_result)

    group_size = 5
    min_valid = 3
    required_true = 2
    total_score_size = 42
    group_range = total_score_size - group_size + 1  # 38

    # sliding windows of size 5 over frames (group_judgement per window)
    idx = jnp.arange(group_range)[:, None] + jnp.arange(group_size)[None, :]  # [38, 5]
    gj = frame_j[idx]   # [38, 5] bool
    gs = frame_s[idx]   # [38, 5] float
    counts = jnp.sum(gj.astype(jnp.int32), axis=1)
    gsum = jnp.sum(jnp.where(gj, gs, 0.0), axis=1)  # sum over boolean-masked scores
    group_ok = counts >= min_valid
    group_score = jnp.where(group_ok, gsum, 0.0)

    # final aggregation: need >= 2 valid groups; score = sum of top-2 valid group scores
    true_count = jnp.sum(group_ok.astype(jnp.int32))
    masked = jnp.where(group_ok, group_score, -jnp.inf)
    topv, _ = jax.lax.top_k(masked, required_true)
    final_judgement = true_count >= required_true
    final_score = jnp.where(final_judgement, jnp.sum(topv), jnp.float32(0.0))
    return final_judgement, final_score

if __name__ == "__main__":
    import jax
    _d = setup_inputs()
    print(jax.jit(kernel)(*tuple(_d.values())))

</pallas_src>

<mosaic_0001>
#map = affine_map<(d0, d1) -> (0, 0)>
#map1 = affine_map<(d0, d1) -> (0)>
module attributes {stable_mosaic.version = 14 : i64} {
  func.func @_body(%arg0: i32, %arg1: i32, %arg2: memref<42x42xf32, #tpu.memory_space<hbm>>, %arg3: memref<1xf32, #tpu.memory_space<hbm>>, %arg4: memref<42x42xf32, #tpu.memory_space<vmem>>, %arg5: memref<64xf32, #tpu.memory_space<vmem>>, %arg6: memref<64xf32, #tpu.memory_space<vmem>>, %arg7: memref<16xf32, #tpu.memory_space<vmem>>) attributes {dimension_semantics = [#tpu.dimension_semantics<core_parallel>, #tpu.dimension_semantics<subcore_parallel>], iteration_bounds = array<i64: 1, 16>, scalar_prefetch = 0 : i64, scratch_operands = 4 : i64, tpu.core_type = #tpu.core_type<sc_vector_subcore>, window_params = [{transform_indices = #map}, {transform_indices = #map1}]} {
    %eq3A = arith.constant 0 : i32
    %eq3A_0 = arith.cmpi eq, %arg0, %eq3A : i32
    %eq3A_1 = arith.constant 0 : i32
    %eq3A_2 = arith.cmpi eq, %arg1, %eq3A_1 : i32
    %and3A = arith.andi %eq3A_0, %eq3A_2 : i1
    %convert_element_type3A = arith.extui %and3A : i1 to i32
    %cond3A = arith.constant 0 : i32
    %cond3A_3 = arith.cmpi ne, %convert_element_type3A, %cond3A : i32
    scf.if %cond3A_3 {
      "tpu.region"() ({
        %run_scoped3A = tpu.sem_alloc : memref<!tpu.dma_semaphore, #tpu.memory_space<semaphore_mem>>
        tpu.enqueue_dma source(%arg2 : memref<42x42xf32, #tpu.memory_space<hbm>>) target(%arg4 : memref<42x42xf32, #tpu.memory_space<vmem>>) target_semaphore(%run_scoped3A : memref<!tpu.dma_semaphore, #tpu.memory_space<semaphore_mem>>)
        tpu.wait_dma2 semaphore(%run_scoped3A : memref<!tpu.dma_semaphore, #tpu.memory_space<semaphore_mem>>) src(%arg2 : memref<42x42xf32, #tpu.memory_space<hbm>>) dst(%arg4 : memref<42x42xf32, #tpu.memory_space<vmem>>)
        tpu.yield
      }) : () -> ()
      %iota3A = tpu.iota {dimensions = array<i32: 0>} : vector<16xi32>
      %broadcast_in_dim3A = arith.constant 0.000000e+00 : f32
      %broadcast_in_dim3A_4 = vector.broadcast %broadcast_in_dim3A : f32 to vector<16xf32>
      %swap3A = arith.constant 48 : index
      %swap3A_5 = tpu.vector_load %arg5[%swap3A] {strides = array<i32>} : memref<64xf32, #tpu.memory_space<vmem>>, vector<16xf32>,
      tpu.vector_store %arg5[%swap3A], %broadcast_in_dim3A_4 {strides = array<i32>} : memref<64xf32, #tpu.memory_space<vmem>>, vector<16xf32>,
      %swap3A_6 = arith.constant 48 : index
      %swap3A_7 = tpu.vector_load %arg6[%swap3A_6] {strides = array<i32>} : memref<64xf32, #tpu.memory_space<vmem>>, vector<16xf32>,
      tpu.vector_store %arg6[%swap3A_6], %broadcast_in_dim3A_4 {strides = array<i32>} : memref<64xf32, #tpu.memory_space<vmem>>, vector<16xf32>,
      %scan3A = arith.constant 0 : i32
      %scan3A_8 = arith.constant 0 : i32
      %scan3A_9 = arith.constant 3 : i32
      %scan3A_10 = arith.addi %scan3A_8, %scan3A_9 : i32
      %scan3A_11 = arith.constant 1 : i32
      scf.for %scan3A_222 = %scan3A_8 to %scan3A_10 step %scan3A_11  : i32 {
        %mul3A = arith.constant 16 : i32
        %mul3A_223 = arith.muli %scan3A_222, %mul3A : i32
        %add3A_224 = vector.broadcast %mul3A_223 : i32 to vector<16xi32>
        %add3A_225 = arith.addi %add3A_224, %iota3A : vector<16xi32>
        %min3A = arith.constant 41 : i32
        %min3A_226 = vector.broadcast %min3A : i32 to vector<16xi32>
        %min3A_227 = arith.minsi %add3A_225, %min3A_226 : vector<16xi32>
        %broadcast_in_dim3A_228 = arith.constant 0 : i32
        %broadcast_in_dim3A_229 = vector.broadcast %broadcast_in_dim3A_228 : i32 to vector<16xi32>
        %gather3A = tpu.vector_load_idx %arg4[%min3A_227, %broadcast_in_dim3A_229] : memref<42x42xf32, #tpu.memory_space<vmem>>[vector<16xi32>, vector<16xi32>], vector<16xf32>,
        %broadcast_in_dim3A_230 = arith.constant 23 : i32
        %broadcast_in_dim3A_231 = vector.broadcast %broadcast_in_dim3A_230 : i32 to vector<16xi32>
        %gather3A_232 = tpu.vector_load_idx %arg4[%min3A_227, %broadcast_in_dim3A_231] : memref<42x42xf32, #tpu.memory_space<vmem>>[vector<16xi32>, vector<16xi32>], vector<16xf32>,
        %broadcast_in_dim3A_233 = arith.constant 36 : i32
        %broadcast_in_dim3A_234 = vector.broadcast %broadcast_in_dim3A_233 : i32 to vector<16xi32>
        %gather3A_235 = tpu.vector_load_idx %arg4[%min3A_227, %broadcast_in_dim3A_234] : memref<42x42xf32, #tpu.memory_space<vmem>>[vector<16xi32>, vector<16xi32>], vector<16xf32>,
        %broadcast_in_dim3A_236 = arith.constant 38 : i32
        %broadcast_in_dim3A_237 = vector.broadcast %broadcast_in_dim3A_236 : i32 to vector<16xi32>
        %gather3A_238 = tpu.vector_load_idx %arg4[%min3A_227, %broadcast_in_dim3A_237] : memref<42x42xf32, #tpu.memory_space<vmem>>[vector<16xi32>, vector<16xi32>], vector<16xf32>,
        %ge3A_239 = arith.constant 8.000000e-01 : f32
        %ge3A_240 = vector.broadcast %ge3A_239 : f32 to vector<16xf32>
        %ge3A_241 = arith.cmpf oge, %gather3A_238, %ge3A_240 : vector<16xf32>
        %le3A = arith.constant 1.000000e+00 : f32
        %le3A_242 = vector.broadcast %le3A : f32 to vector<16xf32>
        %le3A_243 = arith.cmpf ole, %gather3A_238, %le3A_242 : vector<16xf32>
        %and3A_244 = arith.andi %ge3A_241, %le3A_243 : vector<16xi1>
        %ge3A_245 = arith.constant 2.000000e-01 : f32
        %ge3A_246 = vector.broadcast %ge3A_245 : f32 to vector<16xf32>
        %ge3A_247 = arith.cmpf oge, %gather3A_235, %ge3A_246 : vector<16xf32>
        %and3A_248 = arith.andi %and3A_244, %ge3A_247 : vector<16xi1>
        %le3A_249 = arith.constant 6.000000e-01 : f32
        %le3A_250 = vector.broadcast %le3A_249 : f32 to vector<16xf32>
        %le3A_251 = arith.cmpf ole, %gather3A_235, %le3A_250 : vector<16xf32>
        %and3A_252 = arith.andi %and3A_248, %le3A_251 : vector<16xi1>
        %ge3A_253 = arith.constant 0.000000e+00 : f32
        %ge3A_254 = vector.broadcast %ge3A_253 : f32 to vector<16xf32>
        %ge3A_255 = arith.cmpf oge, %gather3A, %ge3A_254 : vector<16xf32>
        %and3A_256 = arith.andi %and3A_252, %ge3A_255 : vector<16xi1>
        %le3A_257 = arith.constant 1.000000e+00 : f32
        %le3A_258 = vector.broadcast %le3A_257 : f32 to vector<16xf32>
        %le3A_259 = arith.cmpf ole, %gather3A, %le3A_258 : vector<16xf32>
        %and3A_260 = arith.andi %and3A_256, %le3A_259 : vector<16xi1>
        %ge3A_261 = arith.constant 0.899999976 : f32
        %ge3A_262 = vector.broadcast %ge3A_261 : f32 to vector<16xf32>
        %ge3A_263 = arith.cmpf oge, %gather3A_238, %ge3A_262 : vector<16xf32>
        %le3A_264 = arith.constant 1.000000e+00 : f32
        %le3A_265 = vector.broadcast %le3A_264 : f32 to vector<16xf32>
        %le3A_266 = arith.cmpf ole, %gather3A_238, %le3A_265 : vector<16xf32>
        %and3A_267 = arith.andi %ge3A_263, %le3A_266 : vector<16xi1>
        %ge3A_268 = arith.constant 2.000000e-01 : f32
        %ge3A_269 = vector.broadcast %ge3A_268 : f32 to vector<16xf32>
        %ge3A_270 = arith.cmpf oge, %gather3A_232, %ge3A_269 : vector<16xf32>
        %and3A_271 = arith.andi %and3A_267, %ge3A_270 : vector<16xi1>
        %le3A_272 = arith.constant 8.000000e-01 : f32
        %le3A_273 = vector.broadcast %le3A_272 : f32 to vector<16xf32>
        %le3A_274 = arith.cmpf ole, %gather3A_232, %le3A_273 : vector<16xf32>
        %and3A_275 = arith.andi %and3A_271, %le3A_274 : vector<16xi1>
        %ge3A_276 = arith.constant 2.000000e-01 : f32
        %ge3A_277 = vector.broadcast %ge3A_276 : f32 to vector<16xf32>
        %ge3A_278 = arith.cmpf oge, %gather3A_235, %ge3A_277 : vector<16xf32>
        %and3A_279 = arith.andi %and3A_275, %ge3A_278 : vector<16xi1>
        %le3A_280 = arith.constant 5.000000e-01 : f32
        %le3A_281 = vector.broadcast %le3A_280 : f32 to vector<16xf32>
        %le3A_282 = arith.cmpf ole, %gather3A_235, %le3A_281 : vector<16xf32>
        %and3A_283 = arith.andi %and3A_279, %le3A_282 : vector<16xi1>
        %ge3A_284 = arith.constant 8.000000e-01 : f32
        %ge3A_285 = vector.broadcast %ge3A_284 : f32 to vector<16xf32>
        %ge3A_286 = arith.cmpf oge, %gather3A_238, %ge3A_285 : vector<16xf32>
        %le3A_287 = arith.constant 1.000000e+00 : f32
        %le3A_288 = vector.broadcast %le3A_287 : f32 to vector<16xf32>
        %le3A_289 = arith.cmpf ole, %gather3A_238, %le3A_288 : vector<16xf32>
        %and3A_290 = arith.andi %ge3A_286, %le3A_289 : vector<16xi1>
        %ge3A_291 = arith.constant 0.000000e+00 : f32
        %ge3A_292 = vector.broadcast %ge3A_291 : f32 to vector<16xf32>
        %ge3A_293 = arith.cmpf oge, %gather3A, %ge3A_292 : vector<16xf32>
        %and3A_294 = arith.andi %and3A_290, %ge3A_293 : vector<16xi1>
        %le3A_295 = arith.constant 5.000000e-01 : f32
        %le3A_296 = vector.broadcast %le3A_295 : f32 to vector<16xf32>
        %le3A_297 = arith.cmpf ole, %gather3A, %le3A_296 : vector<16xf32>
        %and3A_298 = arith.andi %and3A_294, %le3A_297 : vector<16xi1>
        %or3A = arith.ori %and3A_260, %and3A_283 : vector<16xi1>
        %or3A_299 = arith.ori %or3A, %and3A_298 : vector<16xi1>
        %lt3A_300 = arith.constant 42 : i32
        %lt3A_301 = vector.broadcast %lt3A_300 : i32 to vector<16xi32>
        %lt3A_302 = arith.cmpi slt, %add3A_225, %lt3A_301 : vector<16xi32>
        %and3A_303 = arith.andi %or3A_299, %lt3A_302 : vector<16xi1>
        %jit3A_304 = arith.constant 1.330000e+00 : f32
        %jit3A_305 = arith.constant 0.000000e+00 : f32
        %broadcast_in_dim3A_306 = vector.broadcast %jit3A_304 : f32 to vector<16xf32>
        %broadcast_in_dim3A_307 = vector.broadcast %jit3A_305 : f32 to vector<16xf32>
        %select_n3A_308 = arith.select %and3A_298, %broadcast_in_dim3A_306, %broadcast_in_dim3A_307 : vector<16xi1>, vector<16xf32>
        %jit3A_309 = arith.constant 0.00999999977 : f32
        %broadcast_in_dim3A_310 = vector.broadcast %jit3A_309 : f32 to vector<16xf32>
        %select_n3A_311 = arith.select %and3A_283, %broadcast_in_dim3A_310, %select_n3A_308 : vector<16xi1>, vector<16xf32>
        %jit3A_312 = arith.constant 8.670000e+00 : f32
        %broadcast_in_dim3A_313 = vector.broadcast %jit3A_312 : f32 to vector<16xf32>
        %select_n3A_314 = arith.select %and3A_260, %broadcast_in_dim3A_313, %select_n3A_311 : vector<16xi1>, vector<16xf32>
        %jit3A_315 = arith.constant 1.000000e+00 : f32
        %jit3A_316 = arith.constant 0.000000e+00 : f32
        %broadcast_in_dim3A_317 = vector.broadcast %jit3A_315 : f32 to vector<16xf32>
        %broadcast_in_dim3A_318 = vector.broadcast %jit3A_316 : f32 to vector<16xf32>
        %select_n3A_319 = arith.select %and3A_303, %broadcast_in_dim3A_317, %broadcast_in_dim3A_318 : vector<16xi1>, vector<16xf32>
        %mul3A_320 = arith.constant 16 : i32
        %mul3A_321 = arith.muli %scan3A_222, %mul3A_320 : i32
        %swap3A_322 = arith.index_cast %mul3A_321 : i32 to index
        %swap3A_323 = tpu.vector_load %arg5[%swap3A_322] {strides = array<i32>} : memref<64xf32, #tpu.memory_space<vmem>>, vector<16xf32>,
        tpu.vector_store %arg5[%swap3A_322], %select_n3A_319 {strides = array<i32>} : memref<64xf32, #tpu.memory_space<vmem>>, vector<16xf32>,
        %jit3A_324 = arith.constant 0.000000e+00 : f32
        %broadcast_in_dim3A_325 = vector.broadcast %jit3A_324 : f32 to vector<16xf32>
        %select_n3A_326 = arith.select %and3A_303, %select_n3A_314, %broadcast_in_dim3A_325 : vector<16xi1>, vector<16xf32>
        %mul3A_327 = arith.constant 16 : i32
        %mul3A_328 = arith.muli %scan3A_222, %mul3A_327 : i32
        %swap3A_329 = arith.index_cast %mul3A_328 : i32 to index
        %swap3A_330 = tpu.vector_load %arg6[%swap3A_329] {strides = array<i32>} : memref<64xf32, #tpu.memory_space<vmem>>, vector<16xf32>,
        tpu.vector_store %arg6[%swap3A_329], %select_n3A_326 {strides = array<i32>} : memref<64xf32, #tpu.memory_space<vmem>>, vector<16xf32>,
      }
      %scan3A_12 = arith.constant 3 : i32
      %broadcast_in_dim3A_13 = arith.constant -1.000000e+30 : f32
      %broadcast_in_dim3A_14 = vector.broadcast %broadcast_in_dim3A_13 : f32 to vector<16xf32>
      %get3A = arith.constant 0 : index
      %get3A_15 = tpu.vector_load %arg5[%get3A] {strides = array<i32>} : memref<64xf32, #tpu.memory_space<vmem>>, vector<16xf32>,
      %add3A = arith.addf %broadcast_in_dim3A_4, %get3A_15 : vector<16xf32>
      %get3A_16 = arith.constant 0 : index
      %get3A_17 = tpu.vector_load %arg6[%get3A_16] {strides = array<i32>} : memref<64xf32, #tpu.memory_space<vmem>>, vector<16xf32>,
      %add3A_18 = arith.addf %broadcast_in_dim3A_4, %get3A_17 : vector<16xf32>
      %get3A_19 = arith.constant 1 : index
      %get3A_20 = tpu.vector_load %arg5[%get3A_19] {strides = array<i32>} : memref<64xf32, #tpu.memory_space<vmem>>, vector<16xf32>,
      %add3A_21 = arith.addf %add3A, %get3A_20 : vector<16xf32>
      %get3A_22 = arith.constant 1 : index
      %get3A_23 = tpu.vector_load %arg6[%get3A_22] {strides = array<i32>} : memref<64xf32, #tpu.memory_space<vmem>>, vector<16xf32>,
      %add3A_24 = arith.addf %add3A_18, %get3A_23 : vector<16xf32>
      %get3A_25 = arith.constant 2 : index
      %get3A_26 = tpu.vector_load %arg5[%get3A_25] {strides = array<i32>} : memref<64xf32, #tpu.memory_space<vmem>>, vector<16xf32>,
      %add3A_27 = arith.addf %add3A_21, %get3A_26 : vector<16xf32>
      %get3A_28 = arith.constant 2 : index
      %get3A_29 = tpu.vector_load %arg6[%get3A_28] {strides = array<i32>} : memref<64xf32, #tpu.memory_space<vmem>>, vector<16xf32>,
      %add3A_30 = arith.addf %add3A_24, %get3A_29 : vector<16xf32>
      %get3A_31 = arith.constant 3 : index
      %get3A_32 = tpu.vector_load %arg5[%get3A_31] {strides = array<i32>} : memref<64xf32, #tpu.memory_space<vmem>>, vector<16xf32>,
      %add3A_33 = arith.addf %add3A_27, %get3A_32 : vector<16xf32>
      %get3A_34 = arith.constant 3 : index
      %get3A_35 = tpu.vector_load %arg6[%get3A_34] {strides = array<i32>} : memref<64xf32, #tpu.memory_space<vmem>>, vector<16xf32>,
      %add3A_36 = arith.addf %add3A_30, %get3A_35 : vector<16xf32>
      %get3A_37 = arith.constant 4 : index
      %get3A_38 = tpu.vector_load %arg5[%get3A_37] {strides = array<i32>} : memref<64xf32, #tpu.memory_space<vmem>>, vector<16xf32>,
      %add3A_39 = arith.addf %add3A_33, %get3A_38 : vector<16xf32>
      %get3A_40 = arith.constant 4 : index
      %get3A_41 = tpu.vector_load %arg6[%get3A_40] {strides = array<i32>} : memref<64xf32, #tpu.memory_space<vmem>>, vector<16xf32>,
      %add3A_42 = arith.addf %add3A_36, %get3A_41 : vector<16xf32>
      %ge3A = arith.constant 2.500000e+00 : f32
      %ge3A_43 = vector.broadcast %ge3A : f32 to vector<16xf32>
      %ge3A_44 = arith.cmpf oge, %add3A_39, %ge3A_43 : vector<16xf32>
      %add3A_45 = arith.constant 0 : i32
      %add3A_46 = vector.broadcast %add3A_45 : i32 to vector<16xi32>
      %add3A_47 = arith.addi %add3A_46, %iota3A : vector<16xi32>
      %lt3A = arith.constant 38 : i32
      %lt3A_48 = vector.broadcast %lt3A : i32 to vector<16xi32>
      %lt3A_49 = arith.cmpi slt, %add3A_47, %lt3A_48 : vector<16xi32>
      %and3A_50 = arith.andi %ge3A_44, %lt3A_49 : vector<16xi1>
      %jit3A = arith.constant -1.000000e+30 : f32
      %broadcast_in_dim3A_51 = vector.broadcast %jit3A : f32 to vector<16xf32>
      %select_n3A = arith.select %and3A_50, %add3A_42, %broadcast_in_dim3A_51 : vector<16xi1>, vector<16xf32>
      %max3A = arith.maximumf %broadcast_in_dim3A_14, %select_n3A : vector<16xf32>
      %jit3A_52 = arith.constant 1.000000e+00 : f32
      %jit3A_53 = arith.constant 0.000000e+00 : f32
      %broadcast_in_dim3A_54 = vector.broadcast %jit3A_52 : f32 to vector<16xf32>
      %broadcast_in_dim3A_55 = vector.broadcast %jit3A_53 : f32 to vector<16xf32>
      %select_n3A_56 = arith.select %and3A_50, %broadcast_in_dim3A_54, %broadcast_in_dim3A_55 : vector<16xi1>, vector<16xf32>
      %add3A_57 = arith.addf %broadcast_in_dim3A_4, %select_n3A_56 : vector<16xf32>
      %get3A_58 = arith.constant 16 : index
      %get3A_59 = tpu.vector_load %arg5[%get3A_58] {strides = array<i32>} : memref<64xf32, #tpu.memory_space<vmem>>, vector<16xf32>,
      %add3A_60 = arith.addf %broadcast_in_dim3A_4, %get3A_59 : vector<16xf32>
      %get3A_61 = arith.constant 16 : index
      %get3A_62 = tpu.vector_load %arg6[%get3A_61] {strides = array<i32>} : memref<64xf32, #tpu.memory_space<vmem>>, vector<16xf32>,
      %add3A_63 = arith.addf %broadcast_in_dim3A_4, %get3A_62 : vector<16xf32>
      %get3A_64 = arith.constant 17 : index
      %get3A_65 = tpu.vector_load %arg5[%get3A_64] {strides = array<i32>} : memref<64xf32, #tpu.memory_space<vmem>>, vector<16xf32>,
      %add3A_66 = arith.addf %add3A_60, %get3A_65 : vector<16xf32>
      %get3A_67 = arith.constant 17 : index
      %get3A_68 = tpu.vector_load %arg6[%get3A_67] {strides = array<i32>} : memref<64xf32, #tpu.memory_space<vmem>>, vector<16xf32>,
      %add3A_69 = arith.addf %add3A_63, %get3A_68 : vector<16xf32>
      %get3A_70 = arith.constant 18 : index
      %get3A_71 = tpu.vector_load %arg5[%get3A_70] {strides = array<i32>} : memref<64xf32, #tpu.memory_space<vmem>>, vector<16xf32>,
      %add3A_72 = arith.addf %add3A_66, %get3A_71 : vector<16xf32>
      %get3A_73 = arith.constant 18 : index
      %get3A_74 = tpu.vector_load %arg6[%get3A_73] {strides = array<i32>} : memref<64xf32, #tpu.memory_space<vmem>>, vector<16xf32>,
      %add3A_75 = arith.addf %add3A_69, %get3A_74 : vector<16xf32>
      %get3A_76 = arith.constant 19 : index
      %get3A_77 = tpu.vector_load %arg5[%get3A_76] {strides = array<i32>} : memref<64xf32, #tpu.memory_space<vmem>>, vector<16xf32>,
      %add3A_78 = arith.addf %add3A_72, %get3A_77 : vector<16xf32>
      %get3A_79 = arith.constant 19 : index
      %get3A_80 = tpu.vector_load %arg6[%get3A_79] {strides = array<i32>} : memref<64xf32, #tpu.memory_space<vmem>>, vector<16xf32>,
      %add3A_81 = arith.addf %add3A_75, %get3A_80 : vector<16xf32>
      %get3A_82 = arith.constant 20 : index
      %get3A_83 = tpu.vector_load %arg5[%get3A_82] {strides = array<i32>} : memref<64xf32, #tpu.memory_space<vmem>>, vector<16xf32>,
      %add3A_84 = arith.addf %add3A_78, %get3A_83 : vector<16xf32>
      %get3A_85 = arith.constant 20 : index
      %get3A_86 = tpu.vector_load %arg6[%get3A_85] {strides = array<i32>} : memref<64xf32, #tpu.memory_space<vmem>>, vector<16xf32>,
      %add3A_87 = arith.addf %add3A_81, %get3A_86 : vector<16xf32>
      %ge3A_88 = arith.constant 2.500000e+00 : f32
      %ge3A_89 = vector.broadcast %ge3A_88 : f32 to vector<16xf32>
      %ge3A_90 = arith.cmpf oge, %add3A_84, %ge3A_89 : vector<16xf32>
      %add3A_91 = arith.constant 16 : i32
      %add3A_92 = vector.broadcast %add3A_91 : i32 to vector<16xi32>
      %add3A_93 = arith.addi %add3A_92, %iota3A : vector<16xi32>
      %lt3A_94 = arith.constant 38 : i32
      %lt3A_95 = vector.broadcast %lt3A_94 : i32 to vector<16xi32>
      %lt3A_96 = arith.cmpi slt, %add3A_93, %lt3A_95 : vector<16xi32>
      %and3A_97 = arith.andi %ge3A_90, %lt3A_96 : vector<16xi1>
      %jit3A_98 = arith.constant -1.000000e+30 : f32
      %broadcast_in_dim3A_99 = vector.broadcast %jit3A_98 : f32 to vector<16xf32>
      %select_n3A_100 = arith.select %and3A_97, %add3A_87, %broadcast_in_dim3A_99 : vector<16xi1>, vector<16xf32>
      %max3A_101 = arith.maximumf %max3A, %select_n3A_100 : vector<16xf32>
      %jit3A_102 = arith.constant 1.000000e+00 : f32
      %jit3A_103 = arith.constant 0.000000e+00 : f32
      %broadcast_in_dim3A_104 = vector.broadcast %jit3A_102 : f32 to vector<16xf32>
      %broadcast_in_dim3A_105 = vector.broadcast %jit3A_103 : f32 to vector<16xf32>
      %select_n3A_106 = arith.select %and3A_97, %broadcast_in_dim3A_104, %broadcast_in_dim3A_105 : vector<16xi1>, vector<16xf32>
      %add3A_107 = arith.addf %add3A_57, %select_n3A_106 : vector<16xf32>
      %get3A_108 = arith.constant 32 : index
      %get3A_109 = tpu.vector_load %arg5[%get3A_108] {strides = array<i32>} : memref<64xf32, #tpu.memory_space<vmem>>, vector<16xf32>,
      %add3A_110 = arith.addf %broadcast_in_dim3A_4, %get3A_109 : vector<16xf32>
      %get3A_111 = arith.constant 32 : index
      %get3A_112 = tpu.vector_load %arg6[%get3A_111] {strides = array<i32>} : memref<64xf32, #tpu.memory_space<vmem>>, vector<16xf32>,
      %add3A_113 = arith.addf %broadcast_in_dim3A_4, %get3A_112 : vector<16xf32>
      %get3A_114 = arith.constant 33 : index
      %get3A_115 = tpu.vector_load %arg5[%get3A_114] {strides = array<i32>} : memref<64xf32, #tpu.memory_space<vmem>>, vector<16xf32>,
      %add3A_116 = arith.addf %add3A_110, %get3A_115 : vector<16xf32>
      %get3A_117 = arith.constant 33 : index
      %get3A_118 = tpu.vector_load %arg6[%get3A_117] {strides = array<i32>} : memref<64xf32, #tpu.memory_space<vmem>>, vector<16xf32>,
      %add3A_119 = arith.addf %add3A_113, %get3A_118 : vector<16xf32>
      %get3A_120 = arith.constant 34 : index
      %get3A_121 = tpu.vector_load %arg5[%get3A_120] {strides = array<i32>} : memref<64xf32, #tpu.memory_space<vmem>>, vector<16xf32>,
      %add3A_122 = arith.addf %add3A_116, %get3A_121 : vector<16xf32>
      %get3A_123 = arith.constant 34 : index
      %get3A_124 = tpu.vector_load %arg6[%get3A_123] {strides = array<i32>} : memref<64xf32, #tpu.memory_space<vmem>>, vector<16xf32>,
      %add3A_125 = arith.addf %add3A_119, %get3A_124 : vector<16xf32>
      %get3A_126 = arith.constant 35 : index
      %get3A_127 = tpu.vector_load %arg5[%get3A_126] {strides = array<i32>} : memref<64xf32, #tpu.memory_space<vmem>>, vector<16xf32>,
      %add3A_128 = arith.addf %add3A_122, %get3A_127 : vector<16xf32>
      %get3A_129 = arith.constant 35 : index
      %get3A_130 = tpu.vector_load %arg6[%get3A_129] {strides = array<i32>} : memref<64xf32, #tpu.memory_space<vmem>>, vector<16xf32>,
      %add3A_131 = arith.addf %add3A_125, %get3A_130 : vector<16xf32>
      %get3A_132 = arith.constant 36 : index
      %get3A_133 = tpu.vector_load %arg5[%get3A_132] {strides = array<i32>} : memref<64xf32, #tpu.memory_space<vmem>>, vector<16xf32>,
      %add3A_134 = arith.addf %add3A_128, %get3A_133 : vector<16xf32>
      %get3A_135 = arith.constant 36 : index
      %get3A_136 = tpu.vector_load %arg6[%get3A_135] {strides = array<i32>} : memref<64xf32, #tpu.memory_space<vmem>>, vector<16xf32>,
      %add3A_137 = arith.addf %add3A_131, %get3A_136 : vector<16xf32>
      %ge3A_138 = arith.constant 2.500000e+00 : f32
      %ge3A_139 = vector.broadcast %ge3A_138 : f32 to vector<16xf32>
      %ge3A_140 = arith.cmpf oge, %add3A_134, %ge3A_139 : vector<16xf32>
      %add3A_141 = arith.constant 32 : i32
      %add3A_142 = vector.broadcast %add3A_141 : i32 to vector<16xi32>
      %add3A_143 = arith.addi %add3A_142, %iota3A : vector<16xi32>
      %lt3A_144 = arith.constant 38 : i32
      %lt3A_145 = vector.broadcast %lt3A_144 : i32 to vector<16xi32>
      %lt3A_146 = arith.cmpi slt, %add3A_143, %lt3A_145 : vector<16xi32>
      %and3A_147 = arith.andi %ge3A_140, %lt3A_146 : vector<16xi1>
      %jit3A_148 = arith.constant -1.000000e+30 : f32
      %broadcast_in_dim3A_149 = vector.broadcast %jit3A_148 : f32 to vector<16xf32>
      %select_n3A_150 = arith.select %and3A_147, %add3A_137, %broadcast_in_dim3A_149 : vector<16xi1>, vector<16xf32>
      %max3A_151 = arith.maximumf %max3A_101, %select_n3A_150 : vector<16xf32>
      %jit3A_152 = arith.constant 1.000000e+00 : f32
      %jit3A_153 = arith.constant 0.000000e+00 : f32
      %broadcast_in_dim3A_154 = vector.broadcast %jit3A_152 : f32 to vector<16xf32>
      %broadcast_in_dim3A_155 = vector.broadcast %jit3A_153 : f32 to vector<16xf32>
      %select_n3A_156 = arith.select %and3A_147, %broadcast_in_dim3A_154, %broadcast_in_dim3A_155 : vector<16xi1>, vector<16xf32>
      %add3A_157 = arith.addf %add3A_107, %select_n3A_156 : vector<16xf32>
      %reduce_max3A = arith.constant true
      %reduce_max3A_158 = vector.broadcast %reduce_max3A : i1 to vector<16xi1>
      %reduce_max3A_159 = tpu.scan <max>, %max3A_151 masked %reduce_max3A_158 : vector<16xf32>, vector<16xi1> -> vector<16xf32>
      %reduce_max3A_160 = vector.extract %reduce_max3A_159[15] : f32 from vector<16xf32>
      %broadcast_in_dim3A_161 = arith.constant -1.000000e+30 : f32
      %broadcast_in_dim3A_162 = vector.broadcast %broadcast_in_dim3A_161 : f32 to vector<16xf32>
      %eq3A_163 = vector.broadcast %reduce_max3A_160 : f32 to vector<16xf32>
      %eq3A_164 = arith.cmpf oeq, %select_n3A, %eq3A_163 : vector<16xf32>
      %jit3A_165 = arith.constant 1.000000e+00 : f32
      %jit3A_166 = arith.constant 0.000000e+00 : f32
      %broadcast_in_dim3A_167 = vector.broadcast %jit3A_165 : f32 to vector<16xf32>
      %broadcast_in_dim3A_168 = vector.broadcast %jit3A_166 : f32 to vector<16xf32>
      %select_n3A_169 = arith.select %eq3A_164, %broadcast_in_dim3A_167, %broadcast_in_dim3A_168 : vector<16xi1>, vector<16xf32>
      %add3A_170 = arith.addf %broadcast_in_dim3A_4, %select_n3A_169 : vector<16xf32>
      %jit3A_171 = arith.constant -1.000000e+30 : f32
      %broadcast_in_dim3A_172 = vector.broadcast %jit3A_171 : f32 to vector<16xf32>
      %select_n3A_173 = arith.select %eq3A_164, %broadcast_in_dim3A_172, %select_n3A : vector<16xi1>, vector<16xf32>
      %max3A_174 = arith.maximumf %broadcast_in_dim3A_162, %select_n3A_173 : vector<16xf32>
      %eq3A_175 = vector.broadcast %reduce_max3A_160 : f32 to vector<16xf32>
      %eq3A_176 = arith.cmpf oeq, %select_n3A_100, %eq3A_175 : vector<16xf32>
      %jit3A_177 = arith.constant 1.000000e+00 : f32
      %jit3A_178 = arith.constant 0.000000e+00 : f32
      %broadcast_in_dim3A_179 = vector.broadcast %jit3A_177 : f32 to vector<16xf32>
      %broadcast_in_dim3A_180 = vector.broadcast %jit3A_178 : f32 to vector<16xf32>
      %select_n3A_181 = arith.select %eq3A_176, %broadcast_in_dim3A_179, %broadcast_in_dim3A_180 : vector<16xi1>, vector<16xf32>
      %add3A_182 = arith.addf %add3A_170, %select_n3A_181 : vector<16xf32>
      %jit3A_183 = arith.constant -1.000000e+30 : f32
      %broadcast_in_dim3A_184 = vector.broadcast %jit3A_183 : f32 to vector<16xf32>
      %select_n3A_185 = arith.select %eq3A_176, %broadcast_in_dim3A_184, %select_n3A_100 : vector<16xi1>, vector<16xf32>
      %max3A_186 = arith.maximumf %max3A_174, %select_n3A_185 : vector<16xf32>
      %eq3A_187 = vector.broadcast %reduce_max3A_160 : f32 to vector<16xf32>
      %eq3A_188 = arith.cmpf oeq, %select_n3A_150, %eq3A_187 : vector<16xf32>
      %jit3A_189 = arith.constant 1.000000e+00 : f32
      %jit3A_190 = arith.constant 0.000000e+00 : f32
      %broadcast_in_dim3A_191 = vector.broadcast %jit3A_189 : f32 to vector<16xf32>
      %broadcast_in_dim3A_192 = vector.broadcast %jit3A_190 : f32 to vector<16xf32>
      %select_n3A_193 = arith.select %eq3A_188, %broadcast_in_dim3A_191, %broadcast_in_dim3A_192 : vector<16xi1>, vector<16xf32>
      %add3A_194 = arith.addf %add3A_182, %select_n3A_193 : vector<16xf32>
      %jit3A_195 = arith.constant -1.000000e+30 : f32
      %broadcast_in_dim3A_196 = vector.broadcast %jit3A_195 : f32 to vector<16xf32>
      %select_n3A_197 = arith.select %eq3A_188, %broadcast_in_dim3A_196, %select_n3A_150 : vector<16xi1>, vector<16xf32>
      %max3A_198 = arith.maximumf %max3A_186, %select_n3A_197 : vector<16xf32>
      %reduce_sum3A = arith.constant true
      %reduce_sum3A_199 = vector.broadcast %reduce_sum3A : i1 to vector<16xi1>
      %reduce_sum3A_200 = tpu.scan <sum>, %add3A_194 masked %reduce_sum3A_199 : vector<16xf32>, vector<16xi1> -> vector<16xf32>
      %reduce_sum3A_201 = vector.extract %reduce_sum3A_200[15] : f32 from vector<16xf32>
      %ge3A_202 = arith.constant 1.500000e+00 : f32
      %ge3A_203 = arith.cmpf oge, %reduce_sum3A_201, %ge3A_202 : f32
      %reduce_max3A_204 = arith.constant true
      %reduce_max3A_205 = vector.broadcast %reduce_max3A_204 : i1 to vector<16xi1>
      %reduce_max3A_206 = tpu.scan <max>, %max3A_198 masked %reduce_max3A_205 : vector<16xf32>, vector<16xi1> -> vector<16xf32>
      %reduce_max3A_207 = vector.extract %reduce_max3A_206[15] : f32 from vector<16xf32>
      %select_n3A_208 = arith.select %ge3A_203, %reduce_max3A_160, %reduce_max3A_207 : f32
      %reduce_sum3A_209 = arith.constant true
      %reduce_sum3A_210 = vector.broadcast %reduce_sum3A_209 : i1 to vector<16xi1>
      %reduce_sum3A_211 = tpu.scan <sum>, %add3A_157 masked %reduce_sum3A_210 : vector<16xf32>, vector<16xi1> -> vector<16xf32>
      %reduce_sum3A_212 = vector.extract %reduce_sum3A_211[15] : f32 from vector<16xf32>
      %ge3A_213 = arith.constant 1.500000e+00 : f32
      %ge3A_214 = arith.cmpf oge, %reduce_sum3A_212, %ge3A_213 : f32
      %add3A_215 = arith.addf %reduce_max3A_160, %select_n3A_208 : f32
      %jit3A_216 = arith.constant 0.000000e+00 : f32
      %select_n3A_217 = arith.select %ge3A_214, %add3A_215, %jit3A_216 : f32
      %add3A_218 = vector.broadcast %select_n3A_217 : f32 to vector<16xf32>
      %add3A_219 = arith.addf %broadcast_in_dim3A_4, %add3A_218 : vector<16xf32>
      %swap3A_220 = arith.constant 0 : index
      %swap3A_221 = tpu.vector_load %arg7[%swap3A_220] {strides = array<i32>} : memref<16xf32, #tpu.memory_space<vmem>>, vector<16xf32>,
      tpu.vector_store %arg7[%swap3A_220], %add3A_219 {strides = array<i32>} : memref<16xf32, #tpu.memory_space<vmem>>, vector<16xf32>,
      "tpu.region"() ({
        %run_scoped3A = tpu.sem_alloc : memref<!tpu.dma_semaphore, #tpu.memory_space<semaphore_mem>>
        %dma_start3A = arith.constant 0 : i32
        %dma_start3A_222 = tpu.memref_slice %arg7[%dma_start3A] : memref<16xf32, #tpu.memory_space<vmem>> -> memref<1xf32, #tpu.memory_space<vmem>>
        %dma_start3A_223 = arith.constant 0 : i32
        %dma_start3A_224 = tpu.memref_slice %arg7[%dma_start3A_223] : memref<16xf32, #tpu.memory_space<vmem>> -> memref<1xf32, #tpu.memory_space<vmem>>
        tpu.enqueue_dma source(%dma_start3A_224 : memref<1xf32, #tpu.memory_space<vmem>>) target(%arg3 : memref<1xf32, #tpu.memory_space<hbm>>) target_semaphore(%run_scoped3A : memref<!tpu.dma_semaphore, #tpu.memory_space<semaphore_mem>>)
        %dma_wait3A = arith.constant 0 : i32
        %dma_wait3A_225 = tpu.memref_slice %arg7[%dma_wait3A] : memref<16xf32, #tpu.memory_space<vmem>> -> memref<1xf32, #tpu.memory_space<vmem>>
        %dma_wait3A_226 = arith.constant 0 : i32
        %dma_wait3A_227 = tpu.memref_slice %arg7[%dma_wait3A_226] : memref<16xf32, #tpu.memory_space<vmem>> -> memref<1xf32, #tpu.memory_space<vmem>>
        tpu.wait_dma2 semaphore(%run_scoped3A : memref<!tpu.dma_semaphore, #tpu.memory_space<semaphore_mem>>) src(%dma_wait3A_227 : memref<1xf32, #tpu.memory_space<vmem>>) dst(%arg3 : memref<1xf32, #tpu.memory_space<hbm>>)
        tpu.yield
      }) : () -> ()
    } else {
    }
    return
  }
}

</mosaic_0001>

<sc_bundles>
// kernel: kernel.3.cloned.1.call-start
scs
__scs_entry_jumppad:
0x0: {  	(pc) =	sbr.rel $0x88, $3  }
0x1: {  	(tag) =	ssettag $0x0;
	lr =	simm.s32 $0x1  }
0x2: {  	[smem:$0x3FA0] =	sst lr;
	_ =	strace $0xD0000000  }
0x3: {  	_ = 	snop  }
0x4: {  	_ = 	snop  }
0x5: {  	_ = 	snop  }
0x6: {  	_ = 	snop  }
0x7: {  	_ = 	snop  }
__scs_overlays_trampoline_lowered:
0x8: {  	[smem:$0x3FAF] =	sst s0  }
0x9: {  	[smem:$0x3FB0] =	sst s1  }
0xa: {  	[smem:$0x3FB1] =	sst s2  }
0xb: {  	[smem:$0x3FB2] =	sst s3  }
0xc: {  	[smem:$0x3FB3] =	sst s4  }
0xd: {  	[smem:$0x3FB4] =	sst s5  }
0xe: {  	[smem:$0x3FB5] =	sst s6  }
0xf: {  	[smem:$0x3FB6] =	sst s7  }
0x10: {  	[smem:$0x3FB7] =	sst s8  }
0x11: {  	[smem:$0x3FB8] =	sst s9;
	s0 =	simm.s32 @!p0 $0x0  }
0x12: {  	s1 =	sld [smem:$0x3F9E];
	s0 =	simm.s32 @p0 $0x1  }
0x13: {  	[smem:$0x3FB9] =	sst s0;
	s0 =	simm.s32 @!p1 $0x0  }
0x14: {  	s2 =	sld [smem:$0x3F9D];
	s0 =	simm.s32 @p1 $0x1  }
0x15: {  	[smem:$0x3FBA] =	sst s0;
	s0 =	simm.s32 @!p2 $0x0  }
0x16: {  	s3 =	sld [smem:$0x3FDB];
	s0 =	simm.s32 @p2 $0x1  }
0x17: {  	s4 =	simm.s32 $0x1BF5;
	[smem:$0x3FBC] =	sst s0  }
0x18: {  	s0 =	sld [smem:$0x3F9F];
	_ =	swait.ge [sflag:s4], $0x0  }
0x19: {  	s7 =	sld [smem:$0x3FA0]  }
0x1a: {  	s8 =	sadd.s32 $0xFFFFE003, lr  }
0x1b: {  	s9 =	sadd.s32 $0xFFFFFEF7, lr;
	s5 =	simm.s32 $0xFFFFFFFF;
	p2 =	slt.u32 s8, $0xFFFFF086  }
0x1c: {  	p1 =	slt.u32 s9, $0xF7A;
	s5 =	simm.s32 @!p2 $0x0  }
0x1d: {  	s5 =	simm.s32 @p1 $0x1;
	p0 =	seq.s32 s7, s2  }
0x1e: {  	s7 =	smul.u32 @!p0 $0xF7A, s2;
	p2 =	seq.s32 @!p0 s5, $0x0  }
0x1f: {  	s9 =	smul.u32 $0xF7A, s1;
	s8 =	simm.s32 @!p0 $0x1BF5;
	p2 =	por !p2, p0  }
0x20: {  	[sflag:s8] =	ssyncset.s32 @!p0 $0xFFFFF086;
	s6 =	sadd.s32 @!p0 s3, s7;
	s7 =	simm.s32 @!p0 $0x108  }
0x21: {  	s3 =	sadd.s32 s3, s9;
	s6 =	sadd.s32 @!p0 $0x88, s6;
	s7 =	simm.s32 @p2 $0x1082  }
0x22: {  	[simem:s7], [sflag:s8] =	dma.local @!p0 [hbm:s6], $0xF7A  }
0x23: {  	s9 =	sor.u32 $0xD0000000, s2;
	s6 =	simm.s32 $0x108;
	_ =	swait.ge @!p0 [sflag:s8], $0x0  }
0x24: {  	s3 =	sadd.s32 $0x88, s3;
	s6 =	simm.s32 @!p1 $0x1082;
	[sflag:s4] =	ssyncset.s32 $0xFFFFF086  }
0x25: {  	[simem:s6], [sflag:s4] =	dma.local [hbm:s3], $0xF7A  }
0x26: {  	[smem:$0x3FA0] =	sst s1;
	(tag) =	ssettag s2;
	_ =	strace s9  }
0x27: {  	s1 =	sld [smem:$0x3FB0]  }
0x28: {  	s2 =	sld [smem:$0x3FB1]  }
0x29: {  	s4 =	sld [smem:$0x3FB3]  }
0x2a: {  	p0 =	seq.s32 s5, $0x0;
	s5 =	sld [smem:$0x3FB4]  }
0x2b: {  	s6 =	sld [smem:$0x3FB5]  }
0x2c: {  	s7 =	sld [smem:$0x3FB6]  }
0x2d: {  	s3 =	simm.s32 $0x108;
	s8 =	sld [smem:$0x3FB7]  }
0x2e: {  	s3 =	simm.s32 @!p0 $0x1082;
	s9 =	sld [smem:$0x3FB8]  }
0x2f: {  	lr =	sadd.s32 s0, s3;
	s0 =	sld [smem:$0x3FAF]  }
0x30: {  	s3 =	sld [smem:$0x3FB2]  }
0x31: {  	[smem:$0x3FBB] =	sst s10  }
0x32: {  	s10 =	sld [smem:$0x3FB9];
	_ =	sdelay $0x3  }
0x33: {  	p0 =	seq.s32 s10, $0x1;
	s10 =	sld [smem:$0x3FBB];
	_ =	sdelay $0x3  }
0x34: {  	[smem:$0x3FBB] =	sst s10  }
0x35: {  	s10 =	sld [smem:$0x3FBA];
	_ =	sdelay $0x3  }
0x36: {  	p1 =	seq.s32 s10, $0x1;
	s10 =	sld [smem:$0x3FBB];
	_ =	sdelay $0x3  }
0x37: {  	[smem:$0x3FBB] =	sst s10  }
0x38: {  	s10 =	sld [smem:$0x3FBC]  }
0x39: {  	_ = 	snop;
	(pc) =	sbr.ind lr, $3  }
0x3a: {  	_ = 	snop  }
0x3b: {  	_ = 	snop  }
0x3c: {  	p2 =	seq.s32 s10, $0x1;
	s10 =	sld [smem:$0x3FBB]  }
0x3d: {  	_ =	shalt  }
0x3e: {  	_ =	shalt  }
0x3f: {  	_ =	shalt  }
0x40: {  	_ =	shalt  }
0x41: {  	_ =	shalt  }
0x42: {  	_ =	shalt  }
0x43: {  	_ =	shalt  }
0x44: {  	_ =	shalt  }
0x45: {  	_ =	shalt  }
0x46: {  	_ =	shalt  }
0x47: {  	_ =	shalt  }
0x48: {  	_ =	shalt  }
0x49: {  	_ =	shalt  }
0x4a: {  	_ =	shalt  }
0x4b: {  	_ =	shalt  }
0x4c: {  	_ =	shalt  }
0x4d: {  	_ =	shalt  }
0x4e: {  	_ =	shalt  }
0x4f: {  	_ =	shalt  }
0x50: {  	_ =	shalt  }
0x51: {  	_ =	shalt  }
0x52: {  	_ =	shalt  }
0x53: {  	_ =	shalt  }
0x54: {  	_ =	shalt  }
0x55: {  	_ =	shalt  }
0x56: {  	_ =	shalt  }
0x57: {  	_ =	shalt  }
0x58: {  	_ =	shalt  }
0x59: {  	_ =	shalt  }
0x5a: {  	_ =	shalt  }
0x5b: {  	_ =	shalt  }
0x5c: {  	_ =	shalt  }
0x5d: {  	_ =	shalt  }
0x5e: {  	_ =	shalt  }
0x5f: {  	_ =	shalt  }
0x60: {  	_ =	shalt  }
0x61: {  	_ =	shalt  }
0x62: {  	_ =	shalt  }
0x63: {  	_ =	shalt  }
0x64: {  	_ =	shalt  }
0x65: {  	_ =	shalt  }
0x66: {  	_ =	shalt  }
0x67: {  	_ =	shalt  }
0x68: {  	_ =	shalt  }
0x69: {  	_ =	shalt  }
0x6a: {  	_ =	shalt  }
0x6b: {  	_ =	shalt  }
0x6c: {  	_ =	shalt  }
0x6d: {  	_ =	shalt  }
0x6e: {  	_ =	shalt  }
0x6f: {  	_ =	shalt  }
0x70: {  	_ =	shalt  }
0x71: {  	_ =	shalt  }
0x72: {  	_ =	shalt  }
0x73: {  	_ =	shalt  }
0x74: {  	_ =	shalt  }
0x75: {  	_ =	shalt  }
0x76: {  	_ =	shalt  }
0x77: {  	_ =	shalt  }
0x78: {  	_ =	shalt  }
0x79: {  	_ =	shalt  }
0x7a: {  	_ =	shalt  }
0x7b: {  	_ =	shalt  }
0x7c: {  	_ =	shalt  }
0x7d: {  	_ =	shalt  }
0x7e: {  	_ =	shalt  }
0x7f: {  	_ =	shalt  }
0x80: {  	_ =	shalt  }
0x81: {  	_ =	shalt  }
0x82: {  	_ =	shalt  }
0x83: {  	_ =	shalt  }
0x84: {  	_ =	shalt  }
0x85: {  	_ =	shalt  }
0x86: {  	_ =	shalt  }
0x87: {  	_ =	shalt  }
.Lfunc_end0:
.L_simem_size_0:
called_computation_lowered:
.L_overlay_start_0:
0x88: {  	s0 =	sld [smem:$0x3FD9]  }
0x89: {  	s1 =	sld [smem:$0x3FFE];
	_ =	sdelay $0x3  }
0x8a: {  	s0 =	sadd.s32 s1, s0  }
0x8b: {  	[smem:$0x3FC7] =	sst s0  }
0x8c: {  	_ = 	snop  }
0x8d: {  	s0 =	sld [smem:$0x3FD0];
	_ =	sdelay $0x2  }
0x8e: {  	s2 =	simm.s32 $0xA;
	s3 =	simm.s32 $0x10;
	s14 =	sld [smem:$0x3FC9]  }
0x8f: {  	[smem:s3], [sflag:s2] =	dma.local [hbm:s0], $0x1  }
0x90: {  	_ =	swait.eq [sflag:s2], $0x1  }
0x91: {  	[sflag:s2] =	ssyncset.done $0x0  }
0x92: {  	[sflag:s2] =	ssyncadd.s32 $0xFFFFFFFF  }
0x93: {  	s15 =	sld [smem:$0x11];
	(tm) =	ssettm $0x1  }
0x94: {  	s16 =	sld [smem:$0x3FFB];
	_ =	sdelay $0x3  }
0x95: {  	_ =	strace s16  }
0x96: {  	s2 =	sld [smem:$0x3FFC];
	_ =	sdelay $0x3  }
0x97: {  	_ =	strace s2  }
0x98: {  	s2 =	sld [smem:$0x3FFD];
	_ =	sdelay $0x3  }
0x99: {  	_ =	strace s2  }
0x9a: {  	_ =	strace $0x8FFFFFFF  }
0x9b: {  	s17 =	sld [smem:$0x3FDB];
	_ =	sdelay $0x1  }
0x9c: {  	s18 =	simm.s32 $_scs_section_size  }
0x9d: {  	s4 =	simm.s32 $_size__tile_overlayer_lowered;
	s5 =	simm.s32 $_tile_overlayer_lowered  }
0x9e: {  	s21 =	simm.s32 $0x1BFF;
	s20 =	sshll.u32 s5, $0x1;
	s2 =	sadd.s32 s18, s17  }
0x9f: {  	s6 =	simm.s32 $0x0;
	s19 =	sshll.u32 s4, $0x1;
	s4 =	sadd.s32 s20, s2  }
0xa0: {  	[timem:s6], [sflag:s21] =	dma.local [hbm:s4], s19  }
0xa1: {  	_ =	swait.ge [sflag:s21], s19  }
0xa2: {  	s3 =	ssub.s32 $0x0, s19;
	[sflag:s21] =	ssyncset.done $0x0  }
0xa3: {  	[sflag:s21] =	ssyncadd.s32 s3;
	_ =	sdelay $0x1  }
0xa4: {  	s22 =	simm.s32 $0x1B8B  }
0xa5: {  	_ =	swait.ge [sflag:s22], $0x1  }
0xa6: {  	[sflag:s22] =	ssyncset.done $0x0  }
0xa7: {  	s23 =	simm.s32 $0x1B8E;
	[sflag:s22] =	ssyncadd.s32 $0xFFFFFFFF  }
0xa8: {  	s24 =	simm.s32 $execute0_lowered;
	[smem:$0x3FD2] =	sst s23  }
0xa9: {  	s3 =	sshll.u32 s24, $0x1;
	_ =	strace $0x80000046;
	[dreg:$0x1] =	wrdreg $0xFFFFFFFF  }
0xaa: {  	s25 =	simm.s32 $_size_execute0_lowered;
	s2 =	sadd.s32 s2, s3;
	[dreg:$0x0] =	wrdreg $0x0  }
0xab: {  	s3 =	sshll.u32 s25, $0x1;
	[dreg:$0x2] =	wrdreg s2  }
0xac: {  	[dreg:$0x3] =	wrdreg s3  }
0xad: {  	[dreg:$0x4] =	wrdreg $0xC0  }
0xae: {  	_ =	task [dreg:s6], $0x5FFFF  }
0xaf: {  	[dreg:$0x1] =	wrdreg $0xFFFFFFFF  }
0xb0: {  	[dreg:$0x0] =	wrdreg $0x60  }
0xb1: {  	[dreg:$0x2] =	wrdreg s14  }
0xb2: {  	[dreg:$0x3] =	wrdreg s15  }
0xb3: {  	[dreg:$0x4] =	wrdreg $0x9  }
0xb4: {  	_ =	task.clear_ibuf [dreg:s6], $0x5FFFF;
	_ =	strace $0x90000046  }
0xb5: {  	s26 =	simm.s32 $0x9;
	_ =	strace $0x80000048  }
0xb6: {  	_ =	swait.ge [sflag:s26], $0x1  }
0xb7: {  	[sflag:s26] =	ssyncadd.s32 $0xFFFFFFFF  }
0xb8: {  	_ =	strace $0x90000048  }
0xb9: {  	_ =	sfence  }
0xba: {  	s28 =	sld [smem:$0x0];
	_ =	sdelay $0x1  }
0xbb: {  	s29 =	srdreg.scid  }
0xbc: {  	s30 =	sshll.u32 s29, $0xD;
	s31 =	sshrl.u32 s29, $0x2  }
0xbd: {  	s1 =	sand.u32 $0x1, s29;
	s2 =	sand.u32 $0x4000, s30;
	s0 =	sadd.s32 s31, s28  }
0xbe: {  	s1 =	sor.u32 s2, s1;
	s0 =	sshll.u32 s0, $0x11  }
0xbf: {  	s0 =	sor.u32 s0, s1  }
0xc0: {  	s0 =	sadd.s32 $0x8F2B, s0  }
0xc1: {  	[sflag:s0] =	ssyncadd.remote.s32 $0x1  }
0xc2: {  	_ =	sfence.sel $0xFFFF  }
0xc3: {  	[dreg:$0x0] =	wrdreg $0xFFFFFFFF;
	(pc) =	sbr.abs _section_cstart, $3  }
0xc4: {  	[dreg:$0x1] =	wrdreg $0xFFFFFFFF  }
0xc5: {  	_ =	task.clear_ibuf [dreg:s6], $0x2FFFF;
	_ =	strace $0x9FFFFFFF  }
0xc6: {  	(tm) =	ssettm $0x7FFFFFFF  }
0xc7: {  	_ =	shalt  }
tec
execute0_lowered:
.L_overlay_start_1:
0x0: {  	(tag) =	ssettag $0x1  }
0x1: {  	s3 =	rddreg [dreg:$0x0]  }
0x2: {  	s1 =	rddreg [dreg:$0x1];
	s2 =	stileid.u32  }
0x3: {  	s0 =	rddreg [dreg:$0x2];
	_ =	strace $0x80000047;
	p0 =	sne.s32 s2, $0x0  }
0x4: {  	_ =	sfence.sel @p0 $0x180000  }
0x5: {  	[bflag:$0x0] =	sbarrier.arrive @p0 $0xFFFF  }
0x6: {  	_ =	strace @p0 $0x90000047  }
0x7: {  	[bflag:$0x2] =	sbarrier.arrive @p0 $0xFFFF  }
0x8: {  	_ =	shalt @p0  }
.LBB2_1:
0x9: {  	s2 =	simm.s32 $0x0;
	v0 =	vlaneseq.u32  }
0xa: {  	v2 =	vor.u32 s2, v0  }
0xb: {  	s31 =	simm.s32 $0x1;
	vm0 =	vlt.s32 v2, $0x29  }
0xc: {  	[tilespmem:s2], [sflag:$0x1] =	stream.linear.gather [hbm4b:s3+s2], $0x1500, $0x38;
	v1 =	vnsel vm0, $0x29, v2;
	[tilespmem:$0x1980] =	vst v63  }
0xd: {  	_ =	swait.ge [sflag:s31], $0x1500;
	v3 =	vshll.u32 v1, $0x7  }
0xe: {  	[sflag:s31] =	ssyncset.done $0x0;
	v4 =	vor.u32 $0x24, v3  }
0xf: {  	[sflag:s31] =	ssyncadd.s32 $0xFFFFEB00;
	v1 =	vimm.f32 $0.0e+00;
	v5 =	vor.u32 $0x17, v3  }
0x10: {  	[tilespmem:$0x1830] =	vst v1;
	v6 =	vor.u32 $0x26, v3  }
0x11: {  	[tilespmem:$0x18B0] =	vst v1  }
0x12: {  	v3 =	vld.idx.msk [tilespmem:v3+s2+$0x0], $0xffff  }
0x13: {  	v4 =	vld.idx.msk [tilespmem:v4+s2+$0x0], $0xffff  }
0x14: {  	v5 =	vld.idx.msk [tilespmem:v5+s2+$0x0], $0xffff  }
0x15: {  	v6 =	vld.idx.msk [tilespmem:v6+s2+$0x0], $0xffff;
	_ =	sdelay $0x2  }
0x16: {  	vm1 =	vle.f32 v3, $1.000000000e+00;
	vm2 =	vle.f32 v3, $5.000000000e-01  }
0x17: {  	vm3 =	vge.f32 v3, $0.0e+00;
	vm0 =	vle.f32 v4, $6.000000240e-01;
	vm4 =	vle.f32 v4, $5.000000000e-01  }
0x18: {  	vm5 =	vge.f32 v6, $8.999999760e-01;
	vm0 =	vmand vm1, vm0;
	vm1 =	vge.f32 v5, $2.000000030e-01  }
0x19: {  	vm6 =	vge.f32 v6, $8.000000110e-01;
	vm7 =	vle.f32 v5, $8.000000110e-01;
	vm1 =	vmand vm1, vm5  }
0x1a: {  	vm14 =	vle.f32 v6, $1.000000000e+00;
	vm8 =	vge.f32 v4, $2.000000030e-01;
	vm1 =	vmand vm7, vm1  }
0x1b: {  	vm6 =	vmand vm6, vm14;
	vm0 =	vmand vm8, vm0;
	vm1 =	vmand vm4, vm1  }
0x1c: {  	vm2 =	vmand vm3, vm2;
	vm0 =	vmand vm0, vm6;
	vm1 =	vmand vm14, vm1  }
0x1d: {  	vm2 =	vmand vm2, vm6;
	vm0 =	vmand vm3, vm0;
	vm1 =	vmand vm8, vm1  }
0x1e: {  	v3 =	vsel vm2, $0x3FAA3D71, v1;
	vm3 =	vmor vm0, vm1  }
0x1f: {  	s4 =	simm.s32 $0x1880;
	s5 =	simm.s32 $0x10;
	vm15 =	vlt.u32 v2, $0x2A;
	v2 =	vsel vm1, $0x3C23D70A, v3;
	vm1 =	vmor vm2, vm3  }
0x20: {  	s6 =	simm.s32 $0x1800;
	s7 =	simm.s32 $0x1880;
	s3 =	simm.s32 $0x1800;
	v2 =	vsel vm0, $0x410AB852, v2;
	vm0 =	vmand vm15, vm1  }
.LBB2_2:
0x21: {  	p0 =	sne.s32 s5, $0x20;
	v3 =	vsel vm0, $0x3F800000, v1;
	v2 =	vnsel vm0, $0x0, v2;
	s3 =	sadd.s32 $0x10, s3;
	s4 =	sadd.s32 $0x10, s4  }
0x22: {  	v4 =	vor.u32 s5, v0;
	s5 =	sadd.s32 $0x10, s5;
	[tilespmem:s6+$0x0] =	vst v3;
	s6 =	smov.u32 s3  }
0x23: {  	vm0 =	vlt.s32 v4, $0x29;
	[tilespmem:s7+$0x0] =	vst v2;
	s7 =	smov.u32 s4  }
0x24: {  	v2 =	vnsel vm0, $0x29, v4  }
0x25: {  	v2 =	vshll.u32 v2, $0x7  }
0x26: {  	v3 =	vor.u32 $0x17, v2;
	v5 =	vor.u32 $0x24, v2;
	v6 =	vor.u32 $0x26, v2;
	_ =	sdelay $0x3  }
0x27: {  	v2 =	vld.idx.msk [tilespmem:v2+s2+$0x0], $0xffff  }
0x28: {  	v5 =	vld.idx.msk [tilespmem:v5+s2+$0x0], $0xffff  }
0x29: {  	v3 =	vld.idx.msk [tilespmem:v3+s2+$0x0], $0xffff  }
0x2a: {  	v6 =	vld.idx.msk [tilespmem:v6+s2+$0x0], $0xffff;
	_ =	sdelay $0x2  }
0x2b: {  	vm0 =	vle.f32 v2, $5.000000000e-01  }
0x2c: {  	vm2 =	vge.f32 v2, $0.0e+00;
	vm3 =	vle.f32 v2, $1.000000000e+00;
	vm1 =	vle.f32 v5, $6.000000240e-01  }
0x2d: {  	vm4 =	vle.f32 v5, $5.000000000e-01;
	vm1 =	vmand vm3, vm1;
	vm3 =	vge.f32 v3, $2.000000030e-01  }
0x2e: {  	vm7 =	vle.f32 v3, $8.000000110e-01;
	vm5 =	vge.f32 v6, $8.000000110e-01;
	vm6 =	vge.f32 v6, $8.999999760e-01  }
0x2f: {  	vm9 =	vge.f32 v5, $2.000000030e-01;
	vm8 =	vle.f32 v6, $1.000000000e+00;
	vm3 =	vmand vm3, vm6  }
0x30: {  	vm1 =	vmand vm9, vm1;
	vm5 =	vmand vm5, vm8;
	vm3 =	vmand vm7, vm3  }
0x31: {  	vm0 =	vmand vm2, vm0;
	vm1 =	vmand vm1, vm5;
	vm3 =	vmand vm4, vm3  }
.Ltmp0:
0x32: {  	vm0 =	vmand vm0, vm5;
	vm1 =	vmand vm2, vm1;
	vm2 =	vmand vm8, vm3;
	(pc) =	sbr.rel @p0 .LBB2_2-.Ltmp0, $4  }
0x33: {  	v2 =	vsel vm0, $0x3FAA3D71, v1;
	vm2 =	vmand vm9, vm2  }
0x34: {  	vm4 =	vlt.u32 v4, $0x2A;
	vm3 =	vmor vm1, vm2;
	v2 =	vsel vm2, $0x3C23D70A, v2  }
0x35: {  	vm0 =	vmor vm0, vm3;
	v2 =	vsel vm1, $0x410AB852, v2  }
0x36: {  	vm0 =	vmand vm4, vm0  }
0x37: {  	v0 =	vsel vm0, $0x3F800000, v1  }
0x38: {  	v32 =	vnsel vm0, $0x0, v2;
	[tilespmem:s6+$0x0] =	vst v0  }
0x39: {  	[tilespmem:s7+$0x0] =	vst v32  }
0x3a: {  	v0 =	vld [tilespmem:$0x1800]  }
0x3b: {  	v1 =	vld [tilespmem:$0x1880]  }
0x3c: {  	v33 =	vld [tilespmem:$0x1801]  }
0x3d: {  	v3 =	vld [tilespmem:$0x1881]  }
0x3e: {  	v4 =	vld [tilespmem:$0x1802]  }
0x3f: {  	v5 =	vld [tilespmem:$0x1882]  }
0x40: {  	v6 =	vld [tilespmem:$0x1803]  }
0x41: {  	v7 =	vld [tilespmem:$0x1883]  }
0x42: {  	v8 =	vld [tilespmem:$0x1804]  }
0x43: {  	v9 =	vld [tilespmem:$0x1884]  }
0x44: {  	v10 =	vld [tilespmem:$0x1810]  }
0x45: {  	v11 =	vld [tilespmem:$0x1890]  }
0x46: {  	v12 =	vld [tilespmem:$0x1811]  }
0x47: {  	v13 =	vld [tilespmem:$0x1891]  }
0x48: {  	v14 =	vld [tilespmem:$0x1812]  }
0x49: {  	v15 =	vld [tilespmem:$0x1892]  }
0x4a: {  	v16 =	vld [tilespmem:$0x1813]  }
0x4b: {  	v34 =	vld [tilespmem:$0x1893]  }
0x4c: {  	v36 =	vld [tilespmem:$0x1820];
	v0 =	vadd.f32 $0.0e+00, v0  }
0x4d: {  	v37 =	vld [tilespmem:$0x18A0];
	v1 =	vadd.f32 $0.0e+00, v1  }
0x4e: {  	v38 =	vld [tilespmem:$0x1821];
	v11 =	vadd.f32 $0.0e+00, v11;
	v0 =	vadd.f32 v33, v0  }
0x4f: {  	v35 =	vld [tilespmem:$0x1814];
	v40 =	vadd.f32 $0.0e+00, v10;
	v1 =	vadd.f32 v3, v1  }
0x50: {  	v39 =	vld [tilespmem:$0x18A1];
	v11 =	vadd.f32 v13, v11;
	v0 =	vadd.f32 v4, v0  }
0x51: {  	v41 =	vld [tilespmem:$0x1822];
	v1 =	vadd.f32 v5, v1;
	v4 =	vadd.f32 $0.0e+00, v36  }
0x52: {  	v42 =	vld [tilespmem:$0x18A2];
	v5 =	vadd.f32 $0.0e+00, v37;
	v0 =	vadd.f32 v6, v0  }
0x53: {  	v43 =	vld [tilespmem:$0x1823];
	v47 =	vadd.f32 v15, v11;
	v4 =	vadd.f32 v38, v4  }
0x54: {  	v44 =	vld [tilespmem:$0x18A3];
	v0 =	vadd.f32 v8, v0;
	v8 =	vadd.f32 v12, v40  }
0x55: {  	v45 =	vld [tilespmem:$0x1824];
	v1 =	vadd.f32 v7, v1;
	v5 =	vadd.f32 v39, v5  }
0x56: {  	v46 =	vld [tilespmem:$0x1894];
	v4 =	vadd.f32 v41, v4;
	v8 =	vadd.f32 v14, v8  }
0x57: {  	v48 =	vld [tilespmem:$0x18A4];
	v2 =	vadd.f32 v34, v47;
	v5 =	vadd.f32 v42, v5  }
0x58: {  	v4 =	vadd.f32 v43, v4;
	v8 =	vadd.f32 v16, v8  }
0x59: {  	v1 =	vadd.f32 v9, v1;
	v49 =	vadd.f32 v44, v5  }
0x5a: {  	vm13 =	vge.f32 v0, $2.500000000e+00;
	v4 =	vadd.f32 v45, v4;
	v3 =	vadd.f32 v35, v8  }
0x5b: {  	vm3 =	vmmov $0x3f;
	v2 =	vadd.f32 v46, v2;
	v1 =	vnsel vm13, $0xF149F2CA, v1  }
0x5c: {  	v0 =	vadd.f32 v48, v49;
	vm2 =	vge.f32 v4, $2.500000000e+00;
	vm1 =	vge.f32 v3, $2.500000000e+00  }
0x5d: {  	v50 =	vmax.f32 v1, $-1.000000020e+30;
	vm3 =	vmand vm2, vm3;
	v2 =	vnsel vm1, $0xF149F2CA, v2  }
0x5e: {  	v0 =	vnsel vm3, $0xF149F2CA, v0;
	v51 =	vmax.f32 v50, v2  }
0x5f: {  	v4 =	vmax.f32 v51, v0  }
0x60: {  	(xrf0) =	vmax.scan.msk.f32 $0xffff, v4;
	_ =	sdelay $0x5  }
0x61: {  	v4, _, _ =	vpop (xrf0)  }
0x62: {  	v52 =	vbroadcast v4, $0xF;
	_ =	sdelay $0x1  }
0x63: {  	v53 =	vimm.f32 $0.0e+00;
	vm14 =	veq.f32 v1, v52;
	vm4 =	veq.f32 v2, v52  }
0x64: {  	v1 =	vsel vm14, $0x3F800000, v53;
	v54 =	vsel vm4, $0x3F800000, v53  }
0x65: {  	vm5 =	veq.f32 v0, v52;
	v1 =	vadd.f32 v54, v1  }
0x66: {  	vm15 =	vcmask $0x1700;
	v56 =	vsel vm5, $0x3F800000, v53  }
0x67: {  	v55 =	vsel vm13, $0x3F800000, v53;
	v57 =	vsel vm1, $0x3F800000, v53;
	v1 =	vadd.f32 v1, v56  }
0x68: {  	v6 =	vsel vm15, $0x3F800000, v53;
	v5 =	vadd.f32 v57, v55  }
0x69: {  	v6 =	vnsel vm2, $0x0, v6;
	(xrf2) =	vadd.scan.msk.f32 $0xffff, v1  }
0x6a: {  	v58 =	vadd.f32 v6, v5;
	_ =	sdelay $0x1  }
0x6b: {  	v3 =	vsel vm14, $0xF149F2CA, v50;
	v2 =	vsel vm4, $0xF149F2CA, v2;
	(xrf2) =	vadd.scan.msk.f32 $0xffff, v58  }
0x6c: {  	v0 =	vsel vm5, $0xF149F2CA, v0;
	v59 =	vmax.f32 v3, v2  }
0x6d: {  	v0 =	vmax.f32 v59, v0  }
0x6e: {  	(xrf0) =	vmax.scan.msk.f32 $0xffff, v0;
	_ =	sdelay $0x3  }
0x6f: {  	(v2sf) =	vpush v4, $0xF;
	v60, _, _ =	vpop (xrf2)  }
0x70: {  	(v2sf) =	vpush v60, $0xF  }
0x71: {  	v61, _, _ =	vpop (xrf0)  }
0x72: {  	v62, _, _ =	vpop (xrf2);
	(v2sf) =	vpush v61, $0xF  }
0x73: {  	(v2sf) =	vpush v62, $0xF;
	_ =	sdelay $0xa  }
0x74: {  	s2 =	spop (v2sf)  }
0x75: {  	s3 =	spop (v2sf)  }
0x76: {  	p0 =	sge.f32 s3, $1.500000000e+00  }
0x77: {  	s3 =	spop (v2sf)  }
0x78: {  	s4 =	spop (v2sf);
	s3 =	smov.u32 @p0 s2  }
0x79: {  	p0 =	sge.f32 s4, $1.500000000e+00;
	s2 =	sadd.f32 s3, s2  }
0x7a: {  	_ = 	snop  }
0x7b: {  	s2 =	simm.s32 @!p0 $0x0  }
0x7c: {  	v63 =	vmov s2  }
0x7d: {  	v0 =	vadd.f32 $0.0e+00, v63;
	_ =	sdelay $0x1  }
0x7e: {  	v0 =	vbroadcast v0, $0x0;
	_ =	sdelay $0x1  }
0x7f: {  	s29 =	simm.s32 $0x0;
	s30 =	simm.s32 $0x1900;
	s31 =	simm.s32 $0x1;
	[tilespmem:$0x1900] =	vst v0  }
0x80: {  	[hbm4b:s1+s29] =	stream.linear.scatter [tilespmem:s30], [sflag:$0x1], $0x1, $0x38;
	[tilespmem:$0x1980] =	vst v63  }
0x81: {  	_ =	swait.ge [sflag:s31], $0x1  }
0x82: {  	[sflag:s31] =	ssyncset.done $0x0  }
0x83: {  	[sflag:s31] =	ssyncadd.s32 $0xFFFFFFFF  }
0x84: {  	_ =	sfence.sel $0x180000  }
0x85: {  	[bflag:$0x0] =	sbarrier.arrive $0xFFFF  }
0x86: {  	_ =	strace $0x90000047  }
0x87: {  	s0 =	sadd.s32 $0x100000, s0;
	[bflag:$0x2] =	sbarrier.arrive $0xFFFF  }
0x88: {  	[sflag:s0] =	ssyncadd.tile.s32 $0x1;
	_ =	shalt  }
.Lfunc_end2:
_tile_overlayer_lowered:
.L_overlay_start_2:
0x89: {  	(tag) =	ssettag $0x2  }
0x8a: {  	s0 =	rddreg [dreg:$0x0];
	s2 =	stileid.u32  }
0x8b: {  	s1 =	rddreg [dreg:$0x1];
	p0 =	sne.s32 s2, $0x0  }
0x8c: {  	s3 =	rddreg [dreg:$0x2];
	[bflag:$0x3] =	sbarrier.arrive $0xFFFF;
	s2 =	simm.s32 @!p0 $0x1C01  }
0x8d: {  	[timem:s3], [sflag:s2] =	dma.local @!p0 [hbm:s0], s1  }
0x8e: {  	s0 =	simm.s32 @!p0 $0x1  }
0x8f: {  	_ =	swait.ge @!p0 [sflag:s0], s1  }
0x90: {  	s1 =	ssub.s32 @!p0 $0x0, s1;
	[sflag:s0] =	ssyncset.done @!p0 $0x0  }
0x91: {  	[sflag:s0] =	ssyncadd.s32 @!p0 s1  }
0x92: {  	[bflag:$0x3] =	sbarrier.arrive $0xFFFF  }
0x93: {  	_ =	shalt  }

</sc_bundles>
